<compile_context>
chip_gen: v7x
topology: tpu7x:2x2x1
jax: 0.10.2.dev20260603
libtpu: 0.0.44.dev20260713+nightly
codegen_flags: <defaults>
</compile_context>

<pallas_src>
import functools

import jax
import jax.numpy as jnp
from jax import lax
from jax.experimental import pallas as pl
from jax.experimental.pallas import tpu as pltpu
from jax.experimental.pallas import tpu_sc as plsc

N_NODES = 10000
DIM = 128
NC = 2
NS = 16
NW = NC * NS
CHUNK = 128
CPT = 79
E_PAD = NW * CPT * CHUNK
ACC_ROWS = 10240
BLK = 1024


def _sc_scatter_body(src_hbm, dst_hbm, w_hbm, out_hbm,
                     src_v, dst_v, rows_a, acc, gsem):
    c = lax.axis_index("c")
    s = lax.axis_index("s")
    wid = c * NS + s

    pltpu.sync_copy(src_hbm.at[wid], src_v)
    pltpu.sync_copy(dst_hbm.at[wid], dst_v)

    def _zrow(i, _):
        def _zcol(j, _):
            rows_a[i, pl.ds(j * 32, 32)] = jnp.zeros((32,), jnp.bfloat16)
            return 0
        return lax.fori_loop(0, DIM // 32, _zcol, 0)
    lax.fori_loop(0, CHUNK, _zrow, 0)

    rows_per_tile = ACC_ROWS // NS
    r0 = s * rows_per_tile
    for b in range(rows_per_tile // CHUNK):
        pltpu.sync_copy(rows_a, acc.at[pl.ds(r0 + b * CHUNK, CHUNK)])
    plsc.subcore_barrier()

    def _body(j, _):
        pltpu.async_copy(w_hbm.at[src_v.at[j]], rows_a, gsem).wait()
        pltpu.sync_copy(rows_a, acc.at[dst_v.at[j]], add=True)
        return 0
    lax.fori_loop(0, CPT, _body, 0)
    plsc.subcore_barrier()

    for b in range(rows_per_tile // CHUNK):
        pltpu.sync_copy(acc.at[pl.ds(r0 + b * CHUNK, CHUNK)],
                        out_hbm.at[c].at[pl.ds(r0 + b * CHUNK, CHUNK)])


_sc_scatter = functools.partial(
    pl.kernel,
    out_type=jax.ShapeDtypeStruct((NC, ACC_ROWS, DIM), jnp.bfloat16),
    mesh=plsc.VectorSubcoreMesh(core_axis_name="c", subcore_axis_name="s"),
    scratch_types=[
        pltpu.VMEM((CPT, CHUNK), jnp.int32),
        pltpu.VMEM((CPT, CHUNK), jnp.int32),
        pltpu.VMEM((CHUNK, DIM), jnp.bfloat16),
        pltpu.VMEM_SHARED((ACC_ROWS, DIM), jnp.bfloat16),
        pltpu.SemaphoreType.DMA,
    ],
    compiler_params=pltpu.CompilerParams(use_tc_tiling_on_sc=False),
)(_sc_scatter_body)


def _dense_body(p0, p1, xr, be, wc1, bc1, wn, bn, wc2, bc2, wf, bf, yr):
    f32 = jnp.float32
    S = p0[0].astype(f32) + p1[0].astype(f32) + be[...]
    out = S + jnp.dot(S, wc1[...], preferred_element_type=f32) + bc1[...]
    xn = jnp.dot(xr[...], wn[...], preferred_element_type=f32) + bn[...]
    out = out + xn + jnp.dot(xn, wc2[...], preferred_element_type=f32) + bc2[...]
    yr[...] = jnp.dot(jnp.maximum(out, 0.0), wf[...], preferred_element_type=f32) + bf[...]


def _dense_call(partials, x_pad, b_edge, W_cat1, b_cat1, W_node, b_node,
                W_cat2, b_cat2, W_final, b_final):
    grid = ACC_ROWS // BLK
    row_spec = pl.BlockSpec((BLK, DIM), lambda i: (i, 0))
    w_spec = pl.BlockSpec((DIM, DIM), lambda i: (0, 0))
    b_spec = pl.BlockSpec((1, DIM), lambda i: (0, 0))
    return pl.pallas_call(
        _dense_body,
        grid=(grid,),
        in_specs=[
            pl.BlockSpec((1, BLK, DIM), lambda i: (0, i, 0)),
            pl.BlockSpec((1, BLK, DIM), lambda i: (1, i, 0)),
            row_spec, b_spec, w_spec, b_spec, w_spec, b_spec, w_spec, b_spec,
            w_spec, b_spec,
        ],
        out_specs=row_spec,
        out_shape=jax.ShapeDtypeStruct((ACC_ROWS, DIM), jnp.float32),
    )(partials, partials, x_pad, b_edge, W_cat1, b_cat1, W_node, b_node,
      W_cat2, b_cat2, W_final, b_final)


def kernel(x, edge_index, W_edge, b_edge, W_node, b_node, W_cat1, b_cat1,
           W_cat2, b_cat2, W_final, b_final):
    n, d = W_edge.shape
    e = edge_index.shape[1]
    pad = E_PAD - e
    src = jnp.concatenate([edge_index[0], jnp.zeros((pad,), edge_index.dtype)])
    dst = jnp.concatenate([edge_index[1],
                           jnp.full((pad,), N_NODES, edge_index.dtype)])
    src = src.reshape(NW, CPT, CHUNK)
    dst = dst.reshape(NW, CPT, CHUNK)

    partials = _sc_scatter(src, dst, W_edge.astype(jnp.bfloat16))

    x_pad = jnp.pad(x, ((0, ACC_ROWS - n), (0, 0)))
    y = _dense_call(partials, x_pad,
                    b_edge.reshape(1, d), W_cat1, b_cat1.reshape(1, d),
                    W_node, b_node.reshape(1, d), W_cat2, b_cat2.reshape(1, d),
                    W_final, b_final.reshape(1, d))
    return y[:n]

# --- scband reference (transcript-rebuilt; emitter-appended) ---
"""Pipeline reference for scband-linkxencoder-82566451298968 (READ-ONLY COPY).

The authoritative reference and input builder live on the scoring server;
editing this copy changes nothing except your own understanding.
"""

import jax, jax.numpy as jnp
import numpy as np

NUM_NODES = 10000
NUM_EDGES = 320000
IN_DIM = 128
HIDDEN = 128
OUT_DIM = 128


def setup_inputs(seed: int = 0) -> dict:
    key = jax.random.key(seed)
    ks = jax.random.split(key, 16)
    x = jax.random.normal(ks[0], (NUM_NODES, IN_DIM), dtype=jnp.float32)
    edge_index = jax.random.randint(ks[1], (2, NUM_EDGES), 0, NUM_NODES, dtype=jnp.int32)
    s_n = 1.0 / np.sqrt(NUM_NODES)
    s_i = 1.0 / np.sqrt(IN_DIM)
    s_h = 1.0 / np.sqrt(HIDDEN)
    W_edge = jax.random.normal(ks[2], (NUM_NODES, HIDDEN), dtype=jnp.float32) * s_n
    b_edge = jax.random.normal(ks[3], (HIDDEN,), dtype=jnp.float32) * s_n
    W_node = jax.random.normal(ks[4], (IN_DIM, HIDDEN), dtype=jnp.float32) * s_i
    b_node = jax.random.normal(ks[5], (HIDDEN,), dtype=jnp.float32) * s_i
    W_cat1 = jax.random.normal(ks[6], (HIDDEN, HIDDEN), dtype=jnp.float32) * s_h
    b_cat1 = jax.random.normal(ks[7], (HIDDEN,), dtype=jnp.float32) * s_h
    W_cat2 = jax.random.normal(ks[8], (HIDDEN, HIDDEN), dtype=jnp.float32) * s_h
    b_cat2 = jax.random.normal(ks[9], (HIDDEN,), dtype=jnp.float32) * s_h
    W_final = jax.random.normal(ks[10], (HIDDEN, OUT_DIM), dtype=jnp.float32) * s_h
    b_final = jax.random.normal(ks[11], (OUT_DIM,), dtype=jnp.float32) * s_h
    return {
        "x": x,
        "edge_index": edge_index,
        "W_edge": W_edge,
        "b_edge": b_edge,
        "W_node": W_node,
        "b_node": b_node,
        "W_cat1": W_cat1,
        "b_cat1": b_cat1,
        "W_cat2": W_cat2,
        "b_cat2": b_cat2,
        "W_final": W_final,
        "b_final": b_final,
    }


def reference(x, edge_index, W_edge, b_edge, W_node, b_node, W_cat1, b_cat1,
              W_cat2, b_cat2, W_final, b_final):
    # LINKX forward (num_layers = num_edge_layers = num_node_layers = 1,
    # dropout inactive at inference).
    src = edge_index[0]
    dst = edge_index[1]
    # SparseLinear: out[dst] += W_edge[src]; then + bias  (A @ W_edge + b)
    msgs = jnp.take(W_edge, src, axis=0)
    out = jnp.zeros((NUM_NODES, HIDDEN), dtype=x.dtype).at[dst].add(msgs)
    out = out + b_edge
    # out = out + cat_lin1(out)
    out = out + (out @ W_cat1 + b_cat1)
    # node MLP (single plain linear layer)
    xn = x @ W_node + b_node
    out = out + xn
    out = out + (xn @ W_cat2 + b_cat2)
    # final MLP (single plain linear layer) on relu(out)
    return jnp.maximum(out, 0.0) @ W_final + b_final

if __name__ == "__main__":
    import jax
    _d = setup_inputs()
    print(jax.jit(kernel)(*tuple(_d.values())))

</pallas_src>

<mosaic_0001>
#map = affine_map<(d0, d1) -> (0, 0, 0)>
#map1 = affine_map<(d0, d1) -> (0, 0)>
module attributes {stable_mosaic.version = 14 : i64} {
  func.func @_sc_scatter_body(%arg0: i32, %arg1: i32, %arg2: memref<32x79x128xi32, #tpu.memory_space<hbm>>, %arg3: memref<32x79x128xi32, #tpu.memory_space<hbm>>, %arg4: memref<10000x128xbf16, #tpu.memory_space<hbm>>, %arg5: memref<2x10240x128xbf16, #tpu.memory_space<hbm>>, %arg6: memref<79x128xi32, #tpu.memory_space<vmem>>, %arg7: memref<79x128xi32, #tpu.memory_space<vmem>>, %arg8: memref<128x128xbf16, #tpu.memory_space<vmem>>, %arg9: memref<10240x128xbf16, #tpu.memory_space<vmem_shared>>, %arg10: memref<!tpu.dma_semaphore, #tpu.memory_space<semaphore_mem>>) attributes {dimension_semantics = [#tpu.dimension_semantics<core_parallel>, #tpu.dimension_semantics<subcore_parallel>], iteration_bounds = array<i64: 2, 16>, scalar_prefetch = 0 : i64, scratch_operands = 5 : i64, tpu.core_type = #tpu.core_type<sc_vector_subcore>, window_params = [{transform_indices = #map}, {transform_indices = #map}, {transform_indices = #map1}, {transform_indices = #map}]} {
    %mul3A = arith.constant 16 : i32
    %mul3A_0 = arith.muli %arg0, %mul3A : i32
    %add3A = arith.addi %mul3A_0, %arg1 : i32
    "tpu.region"() ({
      %run_scoped3A = tpu.sem_alloc : memref<!tpu.dma_semaphore, #tpu.memory_space<semaphore_mem>>
      %dma_start3A = arith.constant 0 : i32
      %dma_start3A_47 = arith.constant 0 : i32
      %dma_start3A_48 = tpu.memref_slice %arg2[%add3A, %dma_start3A, %dma_start3A_47] : memref<32x79x128xi32, #tpu.memory_space<hbm>> -> memref<1x79x128xi32, #tpu.memory_space<hbm>>
      %dma_start3A_49 = tpu.memref_squeeze %dma_start3A_48 : memref<1x79x128xi32, #tpu.memory_space<hbm>> -> memref<79x128xi32, #tpu.memory_space<hbm>>
      %dma_start3A_50 = arith.constant 0 : i32
      %dma_start3A_51 = arith.constant 0 : i32
      %dma_start3A_52 = tpu.memref_slice %arg2[%add3A, %dma_start3A_50, %dma_start3A_51] : memref<32x79x128xi32, #tpu.memory_space<hbm>> -> memref<1x79x128xi32, #tpu.memory_space<hbm>>
      %dma_start3A_53 = tpu.memref_squeeze %dma_start3A_52 : memref<1x79x128xi32, #tpu.memory_space<hbm>> -> memref<79x128xi32, #tpu.memory_space<hbm>>
      tpu.enqueue_dma source(%dma_start3A_53 : memref<79x128xi32, #tpu.memory_space<hbm>>) target(%arg6 : memref<79x128xi32, #tpu.memory_space<vmem>>) target_semaphore(%run_scoped3A : memref<!tpu.dma_semaphore, #tpu.memory_space<semaphore_mem>>)
      %dma_wait3A = arith.constant 0 : i32
      %dma_wait3A_54 = arith.constant 0 : i32
      %dma_wait3A_55 = tpu.memref_slice %arg2[%add3A, %dma_wait3A, %dma_wait3A_54] : memref<32x79x128xi32, #tpu.memory_space<hbm>> -> memref<1x79x128xi32, #tpu.memory_space<hbm>>
      %dma_wait3A_56 = tpu.memref_squeeze %dma_wait3A_55 : memref<1x79x128xi32, #tpu.memory_space<hbm>> -> memref<79x128xi32, #tpu.memory_space<hbm>>
      %dma_wait3A_57 = arith.constant 0 : i32
      %dma_wait3A_58 = arith.constant 0 : i32
      %dma_wait3A_59 = tpu.memref_slice %arg2[%add3A, %dma_wait3A_57, %dma_wait3A_58] : memref<32x79x128xi32, #tpu.memory_space<hbm>> -> memref<1x79x128xi32, #tpu.memory_space<hbm>>
      %dma_wait3A_60 = tpu.memref_squeeze %dma_wait3A_59 : memref<1x79x128xi32, #tpu.memory_space<hbm>> -> memref<79x128xi32, #tpu.memory_space<hbm>>
      tpu.wait_dma2 semaphore(%run_scoped3A : memref<!tpu.dma_semaphore, #tpu.memory_space<semaphore_mem>>) src(%dma_wait3A_60 : memref<79x128xi32, #tpu.memory_space<hbm>>) dst(%arg6 : memref<79x128xi32, #tpu.memory_space<vmem>>)
      tpu.yield
    }) : () -> ()
    "tpu.region"() ({
      %run_scoped3A = tpu.sem_alloc : memref<!tpu.dma_semaphore, #tpu.memory_space<semaphore_mem>>
      %dma_start3A = arith.constant 0 : i32
      %dma_start3A_47 = arith.constant 0 : i32
      %dma_start3A_48 = tpu.memref_slice %arg3[%add3A, %dma_start3A, %dma_start3A_47] : memref<32x79x128xi32, #tpu.memory_space<hbm>> -> memref<1x79x128xi32, #tpu.memory_space<hbm>>
      %dma_start3A_49 = tpu.memref_squeeze %dma_start3A_48 : memref<1x79x128xi32, #tpu.memory_space<hbm>> -> memref<79x128xi32, #tpu.memory_space<hbm>>
      %dma_start3A_50 = arith.constant 0 : i32
      %dma_start3A_51 = arith.constant 0 : i32
      %dma_start3A_52 = tpu.memref_slice %arg3[%add3A, %dma_start3A_50, %dma_start3A_51] : memref<32x79x128xi32, #tpu.memory_space<hbm>> -> memref<1x79x128xi32, #tpu.memory_space<hbm>>
      %dma_start3A_53 = tpu.memref_squeeze %dma_start3A_52 : memref<1x79x128xi32, #tpu.memory_space<hbm>> -> memref<79x128xi32, #tpu.memory_space<hbm>>
      tpu.enqueue_dma source(%dma_start3A_53 : memref<79x128xi32, #tpu.memory_space<hbm>>) target(%arg7 : memref<79x128xi32, #tpu.memory_space<vmem>>) target_semaphore(%run_scoped3A : memref<!tpu.dma_semaphore, #tpu.memory_space<semaphore_mem>>)
      %dma_wait3A = arith.constant 0 : i32
      %dma_wait3A_54 = arith.constant 0 : i32
      %dma_wait3A_55 = tpu.memref_slice %arg3[%add3A, %dma_wait3A, %dma_wait3A_54] : memref<32x79x128xi32, #tpu.memory_space<hbm>> -> memref<1x79x128xi32, #tpu.memory_space<hbm>>
      %dma_wait3A_56 = tpu.memref_squeeze %dma_wait3A_55 : memref<1x79x128xi32, #tpu.memory_space<hbm>> -> memref<79x128xi32, #tpu.memory_space<hbm>>
      %dma_wait3A_57 = arith.constant 0 : i32
      %dma_wait3A_58 = arith.constant 0 : i32
      %dma_wait3A_59 = tpu.memref_slice %arg3[%add3A, %dma_wait3A_57, %dma_wait3A_58] : memref<32x79x128xi32, #tpu.memory_space<hbm>> -> memref<1x79x128xi32, #tpu.memory_space<hbm>>
      %dma_wait3A_60 = tpu.memref_squeeze %dma_wait3A_59 : memref<1x79x128xi32, #tpu.memory_space<hbm>> -> memref<79x128xi32, #tpu.memory_space<hbm>>
      tpu.wait_dma2 semaphore(%run_scoped3A : memref<!tpu.dma_semaphore, #tpu.memory_space<semaphore_mem>>) src(%dma_wait3A_60 : memref<79x128xi32, #tpu.memory_space<hbm>>) dst(%arg7 : memref<79x128xi32, #tpu.memory_space<vmem>>)
      tpu.yield
    }) : () -> ()
    %scan3A = arith.constant 0 : i32
    %scan3A_1 = arith.constant 0 : i32
    %scan3A_2 = arith.constant 128 : i32
    %scan3A_3 = arith.addi %scan3A_1, %scan3A_2 : i32
    %scan3A_4 = arith.constant 1 : i32
    %scan3A_5 = scf.for %scan3A_47 = %scan3A_1 to %scan3A_3 step %scan3A_4 iter_args(%scan3A_48 = %scan3A) -> (i32)  : i32 {
      %scan3A_49 = arith.constant 0 : i32
      %scan3A_50 = arith.constant 0 : i32
      %scan3A_51 = arith.constant 4 : i32
      %scan3A_52 = arith.addi %scan3A_50, %scan3A_51 : i32
      %scan3A_53 = arith.constant 1 : i32
      %scan3A_54 = scf.for %scan3A_56 = %scan3A_50 to %scan3A_52 step %scan3A_53 iter_args(%scan3A_57 = %scan3A_49) -> (i32)  : i32 {
        %broadcast_in_dim3A = arith.constant 0.000000e+00 : bf16
        %broadcast_in_dim3A_58 = vector.broadcast %broadcast_in_dim3A : bf16 to vector<32xbf16>
        %mul3A_59 = arith.constant 32 : i32
        %mul3A_60 = arith.muli %scan3A_56, %mul3A_59 : i32
        %swap3A = arith.index_cast %scan3A_47 : i32 to index
        %swap3A_61 = arith.index_cast %mul3A_60 : i32 to index
        %swap3A_62 = tpu.vector_load %arg8[%swap3A, %swap3A_61] {strides = array<i32>} : memref<128x128xbf16, #tpu.memory_space<vmem>>, vector<1x32xbf16>,
        %swap3A_63 = vector.shape_cast %swap3A_62 : vector<1x32xbf16> to vector<32xbf16>
        %swap3A_64 = vector.shape_cast %broadcast_in_dim3A_58 : vector<32xbf16> to vector<1x32xbf16>
        tpu.vector_store %arg8[%swap3A, %swap3A_61], %swap3A_64 {strides = array<i32>} : memref<128x128xbf16, #tpu.memory_space<vmem>>, vector<1x32xbf16>,
        %scan3A_65 = arith.constant 0 : i32
        scf.yield %scan3A_65 : i32
      }
      %scan3A_55 = arith.constant 4 : i32
      scf.yield %scan3A_54 : i32
    }
    %scan3A_6 = arith.constant 128 : i32
    %mul3A_7 = arith.constant 640 : i32
    %mul3A_8 = arith.muli %arg1, %mul3A_7 : i32
    %add3A_9 = arith.constant 0 : i32
    %add3A_10 = arith.addi %mul3A_8, %add3A_9 : i32
    "tpu.region"() ({
      %run_scoped3A = tpu.sem_alloc : memref<!tpu.dma_semaphore, #tpu.memory_space<semaphore_mem>>
      %dma_start3A = arith.constant 0 : i32
      %dma_start3A_47 = tpu.memref_slice %arg9[%add3A_10, %dma_start3A] : memref<10240x128xbf16, #tpu.memory_space<vmem_shared>> -> memref<128x128xbf16, #tpu.memory_space<vmem_shared>>
      %dma_start3A_48 = arith.constant 0 : i32
      %dma_start3A_49 = tpu.memref_slice %arg9[%add3A_10, %dma_start3A_48] : memref<10240x128xbf16, #tpu.memory_space<vmem_shared>> -> memref<128x128xbf16, #tpu.memory_space<vmem_shared>>
      tpu.enqueue_dma source(%arg8 : memref<128x128xbf16, #tpu.memory_space<vmem>>) target(%dma_start3A_49 : memref<128x128xbf16, #tpu.memory_space<vmem_shared>>) target_semaphore(%run_scoped3A : memref<!tpu.dma_semaphore, #tpu.memory_space<semaphore_mem>>)
      %dma_wait3A = arith.constant 0 : i32
      %dma_wait3A_50 = tpu.memref_slice %arg9[%add3A_10, %dma_wait3A] : memref<10240x128xbf16, #tpu.memory_space<vmem_shared>> -> memref<128x128xbf16, #tpu.memory_space<vmem_shared>>
      %dma_wait3A_51 = arith.constant 0 : i32
      %dma_wait3A_52 = tpu.memref_slice %arg9[%add3A_10, %dma_wait3A_51] : memref<10240x128xbf16, #tpu.memory_space<vmem_shared>> -> memref<128x128xbf16, #tpu.memory_space<vmem_shared>>
      tpu.wait_dma2 semaphore(%run_scoped3A : memref<!tpu.dma_semaphore, #tpu.memory_space<semaphore_mem>>) src(%arg8 : memref<128x128xbf16, #tpu.memory_space<vmem>>) dst(%dma_wait3A_52 : memref<128x128xbf16, #tpu.memory_space<vmem_shared>>)
      tpu.yield
    }) : () -> ()
    %add3A_11 = arith.constant 128 : i32
    %add3A_12 = arith.addi %mul3A_8, %add3A_11 : i32
    "tpu.region"() ({
      %run_scoped3A = tpu.sem_alloc : memref<!tpu.dma_semaphore, #tpu.memory_space<semaphore_mem>>
      %dma_start3A = arith.constant 0 : i32
      %dma_start3A_47 = tpu.memref_slice %arg9[%add3A_12, %dma_start3A] : memref<10240x128xbf16, #tpu.memory_space<vmem_shared>> -> memref<128x128xbf16, #tpu.memory_space<vmem_shared>>
      %dma_start3A_48 = arith.constant 0 : i32
      %dma_start3A_49 = tpu.memref_slice %arg9[%add3A_12, %dma_start3A_48] : memref<10240x128xbf16, #tpu.memory_space<vmem_shared>> -> memref<128x128xbf16, #tpu.memory_space<vmem_shared>>
      tpu.enqueue_dma source(%arg8 : memref<128x128xbf16, #tpu.memory_space<vmem>>) target(%dma_start3A_49 : memref<128x128xbf16, #tpu.memory_space<vmem_shared>>) target_semaphore(%run_scoped3A : memref<!tpu.dma_semaphore, #tpu.memory_space<semaphore_mem>>)
      %dma_wait3A = arith.constant 0 : i32
      %dma_wait3A_50 = tpu.memref_slice %arg9[%add3A_12, %dma_wait3A] : memref<10240x128xbf16, #tpu.memory_space<vmem_shared>> -> memref<128x128xbf16, #tpu.memory_space<vmem_shared>>
      %dma_wait3A_51 = arith.constant 0 : i32
      %dma_wait3A_52 = tpu.memref_slice %arg9[%add3A_12, %dma_wait3A_51] : memref<10240x128xbf16, #tpu.memory_space<vmem_shared>> -> memref<128x128xbf16, #tpu.memory_space<vmem_shared>>
      tpu.wait_dma2 semaphore(%run_scoped3A : memref<!tpu.dma_semaphore, #tpu.memory_space<semaphore_mem>>) src(%arg8 : memref<128x128xbf16, #tpu.memory_space<vmem>>) dst(%dma_wait3A_52 : memref<128x128xbf16, #tpu.memory_space<vmem_shared>>)
      tpu.yield
    }) : () -> ()
    %add3A_13 = arith.constant 256 : i32
    %add3A_14 = arith.addi %mul3A_8, %add3A_13 : i32
    "tpu.region"() ({
      %run_scoped3A = tpu.sem_alloc : memref<!tpu.dma_semaphore, #tpu.memory_space<semaphore_mem>>
      %dma_start3A = arith.constant 0 : i32
      %dma_start3A_47 = tpu.memref_slice %arg9[%add3A_14, %dma_start3A] : memref<10240x128xbf16, #tpu.memory_space<vmem_shared>> -> memref<128x128xbf16, #tpu.memory_space<vmem_shared>>
      %dma_start3A_48 = arith.constant 0 : i32
      %dma_start3A_49 = tpu.memref_slice %arg9[%add3A_14, %dma_start3A_48] : memref<10240x128xbf16, #tpu.memory_space<vmem_shared>> -> memref<128x128xbf16, #tpu.memory_space<vmem_shared>>
      tpu.enqueue_dma source(%arg8 : memref<128x128xbf16, #tpu.memory_space<vmem>>) target(%dma_start3A_49 : memref<128x128xbf16, #tpu.memory_space<vmem_shared>>) target_semaphore(%run_scoped3A : memref<!tpu.dma_semaphore, #tpu.memory_space<semaphore_mem>>)
      %dma_wait3A = arith.constant 0 : i32
      %dma_wait3A_50 = tpu.memref_slice %arg9[%add3A_14, %dma_wait3A] : memref<10240x128xbf16, #tpu.memory_space<vmem_shared>> -> memref<128x128xbf16, #tpu.memory_space<vmem_shared>>
      %dma_wait3A_51 = arith.constant 0 : i32
      %dma_wait3A_52 = tpu.memref_slice %arg9[%add3A_14, %dma_wait3A_51] : memref<10240x128xbf16, #tpu.memory_space<vmem_shared>> -> memref<128x128xbf16, #tpu.memory_space<vmem_shared>>
      tpu.wait_dma2 semaphore(%run_scoped3A : memref<!tpu.dma_semaphore, #tpu.memory_space<semaphore_mem>>) src(%arg8 : memref<128x128xbf16, #tpu.memory_space<vmem>>) dst(%dma_wait3A_52 : memref<128x128xbf16, #tpu.memory_space<vmem_shared>>)
      tpu.yield
    }) : () -> ()
    %add3A_15 = arith.constant 384 : i32
    %add3A_16 = arith.addi %mul3A_8, %add3A_15 : i32
    "tpu.region"() ({
      %run_scoped3A = tpu.sem_alloc : memref<!tpu.dma_semaphore, #tpu.memory_space<semaphore_mem>>
      %dma_start3A = arith.constant 0 : i32
      %dma_start3A_47 = tpu.memref_slice %arg9[%add3A_16, %dma_start3A] : memref<10240x128xbf16, #tpu.memory_space<vmem_shared>> -> memref<128x128xbf16, #tpu.memory_space<vmem_shared>>
      %dma_start3A_48 = arith.constant 0 : i32
      %dma_start3A_49 = tpu.memref_slice %arg9[%add3A_16, %dma_start3A_48] : memref<10240x128xbf16, #tpu.memory_space<vmem_shared>> -> memref<128x128xbf16, #tpu.memory_space<vmem_shared>>
      tpu.enqueue_dma source(%arg8 : memref<128x128xbf16, #tpu.memory_space<vmem>>) target(%dma_start3A_49 : memref<128x128xbf16, #tpu.memory_space<vmem_shared>>) target_semaphore(%run_scoped3A : memref<!tpu.dma_semaphore, #tpu.memory_space<semaphore_mem>>)
      %dma_wait3A = arith.constant 0 : i32
      %dma_wait3A_50 = tpu.memref_slice %arg9[%add3A_16, %dma_wait3A] : memref<10240x128xbf16, #tpu.memory_space<vmem_shared>> -> memref<128x128xbf16, #tpu.memory_space<vmem_shared>>
      %dma_wait3A_51 = arith.constant 0 : i32
      %dma_wait3A_52 = tpu.memref_slice %arg9[%add3A_16, %dma_wait3A_51] : memref<10240x128xbf16, #tpu.memory_space<vmem_shared>> -> memref<128x128xbf16, #tpu.memory_space<vmem_shared>>
      tpu.wait_dma2 semaphore(%run_scoped3A : memref<!tpu.dma_semaphore, #tpu.memory_space<semaphore_mem>>) src(%arg8 : memref<128x128xbf16, #tpu.memory_space<vmem>>) dst(%dma_wait3A_52 : memref<128x128xbf16, #tpu.memory_space<vmem_shared>>)
      tpu.yield
    }) : () -> ()
    %add3A_17 = arith.constant 512 : i32
    %add3A_18 = arith.addi %mul3A_8, %add3A_17 : i32
    "tpu.region"() ({
      %run_scoped3A = tpu.sem_alloc : memref<!tpu.dma_semaphore, #tpu.memory_space<semaphore_mem>>
      %dma_start3A = arith.constant 0 : i32
      %dma_start3A_47 = tpu.memref_slice %arg9[%add3A_18, %dma_start3A] : memref<10240x128xbf16, #tpu.memory_space<vmem_shared>> -> memref<128x128xbf16, #tpu.memory_space<vmem_shared>>
      %dma_start3A_48 = arith.constant 0 : i32
      %dma_start3A_49 = tpu.memref_slice %arg9[%add3A_18, %dma_start3A_48] : memref<10240x128xbf16, #tpu.memory_space<vmem_shared>> -> memref<128x128xbf16, #tpu.memory_space<vmem_shared>>
      tpu.enqueue_dma source(%arg8 : memref<128x128xbf16, #tpu.memory_space<vmem>>) target(%dma_start3A_49 : memref<128x128xbf16, #tpu.memory_space<vmem_shared>>) target_semaphore(%run_scoped3A : memref<!tpu.dma_semaphore, #tpu.memory_space<semaphore_mem>>)
      %dma_wait3A = arith.constant 0 : i32
      %dma_wait3A_50 = tpu.memref_slice %arg9[%add3A_18, %dma_wait3A] : memref<10240x128xbf16, #tpu.memory_space<vmem_shared>> -> memref<128x128xbf16, #tpu.memory_space<vmem_shared>>
      %dma_wait3A_51 = arith.constant 0 : i32
      %dma_wait3A_52 = tpu.memref_slice %arg9[%add3A_18, %dma_wait3A_51] : memref<10240x128xbf16, #tpu.memory_space<vmem_shared>> -> memref<128x128xbf16, #tpu.memory_space<vmem_shared>>
      tpu.wait_dma2 semaphore(%run_scoped3A : memref<!tpu.dma_semaphore, #tpu.memory_space<semaphore_mem>>) src(%arg8 : memref<128x128xbf16, #tpu.memory_space<vmem>>) dst(%dma_wait3A_52 : memref<128x128xbf16, #tpu.memory_space<vmem_shared>>)
      tpu.yield
    }) : () -> ()
    %barrier3A = arith.constant 0 : index
    tpu.barrier barrier_id(%barrier3A)
    %scan3A_19 = arith.constant 0 : i32
    %scan3A_20 = arith.constant 0 : i32
    %scan3A_21 = arith.constant 79 : i32
    %scan3A_22 = arith.addi %scan3A_20, %scan3A_21 : i32
    %scan3A_23 = arith.constant 1 : i32
    %scan3A_24 = scf.for %scan3A_47 = %scan3A_20 to %scan3A_22 step %scan3A_23 iter_args(%scan3A_48 = %scan3A_19) -> (i32)  : i32 {
      %dma_start3A = arith.constant 0 : i32
      %dma_start3A_49 = tpu.memref_slice %arg6[%scan3A_47, %dma_start3A] : memref<79x128xi32, #tpu.memory_space<vmem>> -> memref<1x128xi32, #tpu.memory_space<vmem>>
      %dma_start3A_50 = tpu.memref_squeeze %dma_start3A_49 : memref<1x128xi32, #tpu.memory_space<vmem>> -> memref<128xi32, #tpu.memory_space<vmem>>
      %dma_start3A_51 = arith.constant 0 : i32
      %dma_start3A_52 = arith.constant 0 : i32
      %dma_start3A_53 = tpu.memref_slice %arg4[%dma_start3A_51, %dma_start3A_52] : memref<10000x128xbf16, #tpu.memory_space<hbm>> -> memref<10000x128xbf16, #tpu.memory_space<hbm>>
      tpu.enqueue_indirect_dma source(%dma_start3A_53 : memref<10000x128xbf16, #tpu.memory_space<hbm>>) target(%arg8 : memref<128x128xbf16, #tpu.memory_space<vmem>>) offsets(%dma_start3A_50 : memref<128xi32, #tpu.memory_space<vmem>>) semaphore(%arg10 : memref<!tpu.dma_semaphore, #tpu.memory_space<semaphore_mem>>)
      %dma_wait3A = arith.constant 0 : i32
      %dma_wait3A_54 = tpu.memref_slice %arg6[%scan3A_47, %dma_wait3A] : memref<79x128xi32, #tpu.memory_space<vmem>> -> memref<1x128xi32, #tpu.memory_space<vmem>>
      %dma_wait3A_55 = tpu.memref_squeeze %dma_wait3A_54 : memref<1x128xi32, #tpu.memory_space<vmem>> -> memref<128xi32, #tpu.memory_space<vmem>>
      %dma_wait3A_56 = arith.constant 0 : i32
      %dma_wait3A_57 = arith.constant 0 : i32
      %dma_wait3A_58 = tpu.memref_slice %arg4[%dma_wait3A_56, %dma_wait3A_57] : memref<10000x128xbf16, #tpu.memory_space<hbm>> -> memref<10000x128xbf16, #tpu.memory_space<hbm>>
      tpu.wait_indirect_dma semaphore(%arg10 : memref<!tpu.dma_semaphore, #tpu.memory_space<semaphore_mem>>) src(%dma_wait3A_58 : memref<10000x128xbf16, #tpu.memory_space<hbm>>) dst(%arg8 : memref<128x128xbf16, #tpu.memory_space<vmem>>)
      "tpu.region"() ({
        %run_scoped3A = tpu.sem_alloc : memref<!tpu.dma_semaphore, #tpu.memory_space<semaphore_mem>>
        %dma_start3A_60 = arith.constant 0 : i32
        %dma_start3A_61 = tpu.memref_slice %arg7[%scan3A_47, %dma_start3A_60] : memref<79x128xi32, #tpu.memory_space<vmem>> -> memref<1x128xi32, #tpu.memory_space<vmem>>
        %dma_start3A_62 = tpu.memref_squeeze %dma_start3A_61 : memref<1x128xi32, #tpu.memory_space<vmem>> -> memref<128xi32, #tpu.memory_space<vmem>>
        %dma_start3A_63 = arith.constant 0 : i32
        %dma_start3A_64 = arith.constant 0 : i32
        %dma_start3A_65 = tpu.memref_slice %arg9[%dma_start3A_63, %dma_start3A_64] : memref<10240x128xbf16, #tpu.memory_space<vmem_shared>> -> memref<10240x128xbf16, #tpu.memory_space<vmem_shared>>
        tpu.enqueue_indirect_dma source(%arg8 : memref<128x128xbf16, #tpu.memory_space<vmem>>) target(%dma_start3A_65 : memref<10240x128xbf16, #tpu.memory_space<vmem_shared>>) offsets(%dma_start3A_62 : memref<128xi32, #tpu.memory_space<vmem>>) semaphore(%run_scoped3A : memref<!tpu.dma_semaphore, #tpu.memory_space<semaphore_mem>>) {add = true}
        %dma_wait3A_66 = arith.constant 0 : i32
        %dma_wait3A_67 = tpu.memref_slice %arg7[%scan3A_47, %dma_wait3A_66] : memref<79x128xi32, #tpu.memory_space<vmem>> -> memref<1x128xi32, #tpu.memory_space<vmem>>
        %dma_wait3A_68 = tpu.memref_squeeze %dma_wait3A_67 : memref<1x128xi32, #tpu.memory_space<vmem>> -> memref<128xi32, #tpu.memory_space<vmem>>
        %dma_wait3A_69 = arith.constant 0 : i32
        %dma_wait3A_70 = arith.constant 0 : i32
        %dma_wait3A_71 = tpu.memref_slice %arg9[%dma_wait3A_69, %dma_wait3A_70] : memref<10240x128xbf16, #tpu.memory_space<vmem_shared>> -> memref<10240x128xbf16, #tpu.memory_space<vmem_shared>>
        tpu.wait_indirect_dma semaphore(%run_scoped3A : memref<!tpu.dma_semaphore, #tpu.memory_space<semaphore_mem>>) src(%arg8 : memref<128x128xbf16, #tpu.memory_space<vmem>>) dst(%dma_wait3A_71 : memref<10240x128xbf16, #tpu.memory_space<vmem_shared>>)
        tpu.yield
      }) : () -> ()
      %scan3A_59 = arith.constant 0 : i32
      scf.yield %scan3A_59 : i32
    }
    %scan3A_25 = arith.constant 79 : i32
    %barrier3A_26 = arith.constant 0 : index
    tpu.barrier barrier_id(%barrier3A_26)
    %add3A_27 = arith.constant 0 : i32
    %add3A_28 = arith.addi %mul3A_8, %add3A_27 : i32
    %add3A_29 = arith.constant 0 : i32
    %add3A_30 = arith.addi %mul3A_8, %add3A_29 : i32
    "tpu.region"() ({
      %run_scoped3A = tpu.sem_alloc : memref<!tpu.dma_semaphore, #tpu.memory_space<semaphore_mem>>
      %dma_start3A = arith.constant 0 : i32
      %dma_start3A_47 = arith.constant 0 : i32
      %dma_start3A_48 = tpu.memref_slice %arg5[%arg0, %dma_start3A, %dma_start3A_47] : memref<2x10240x128xbf16, #tpu.memory_space<hbm>> -> memref<1x10240x128xbf16, #tpu.memory_space<hbm>>
      %dma_start3A_49 = tpu.memref_squeeze %dma_start3A_48 : memref<1x10240x128xbf16, #tpu.memory_space<hbm>> -> memref<10240x128xbf16, #tpu.memory_space<hbm>>
      %dma_start3A_50 = arith.constant 0 : i32
      %dma_start3A_51 = tpu.memref_slice %dma_start3A_49[%add3A_30, %dma_start3A_50] : memref<10240x128xbf16, #tpu.memory_space<hbm>> -> memref<128x128xbf16, #tpu.memory_space<hbm>>
      %dma_start3A_52 = arith.constant 0 : i32
      %dma_start3A_53 = tpu.memref_slice %arg9[%add3A_28, %dma_start3A_52] : memref<10240x128xbf16, #tpu.memory_space<vmem_shared>> -> memref<128x128xbf16, #tpu.memory_space<vmem_shared>>
      tpu.enqueue_dma source(%dma_start3A_53 : memref<128x128xbf16, #tpu.memory_space<vmem_shared>>) target(%dma_start3A_51 : memref<128x128xbf16, #tpu.memory_space<hbm>>) target_semaphore(%run_scoped3A : memref<!tpu.dma_semaphore, #tpu.memory_space<semaphore_mem>>)
      %dma_wait3A = arith.constant 0 : i32
      %dma_wait3A_54 = arith.constant 0 : i32
      %dma_wait3A_55 = tpu.memref_slice %arg5[%arg0, %dma_wait3A, %dma_wait3A_54] : memref<2x10240x128xbf16, #tpu.memory_space<hbm>> -> memref<1x10240x128xbf16, #tpu.memory_space<hbm>>
      %dma_wait3A_56 = tpu.memref_squeeze %dma_wait3A_55 : memref<1x10240x128xbf16, #tpu.memory_space<hbm>> -> memref<10240x128xbf16, #tpu.memory_space<hbm>>
      %dma_wait3A_57 = arith.constant 0 : i32
      %dma_wait3A_58 = tpu.memref_slice %dma_wait3A_56[%add3A_30, %dma_wait3A_57] : memref<10240x128xbf16, #tpu.memory_space<hbm>> -> memref<128x128xbf16, #tpu.memory_space<hbm>>
      %dma_wait3A_59 = arith.constant 0 : i32
      %dma_wait3A_60 = tpu.memref_slice %arg9[%add3A_28, %dma_wait3A_59] : memref<10240x128xbf16, #tpu.memory_space<vmem_shared>> -> memref<128x128xbf16, #tpu.memory_space<vmem_shared>>
      tpu.wait_dma2 semaphore(%run_scoped3A : memref<!tpu.dma_semaphore, #tpu.memory_space<semaphore_mem>>) src(%dma_wait3A_60 : memref<128x128xbf16, #tpu.memory_space<vmem_shared>>) dst(%dma_wait3A_58 : memref<128x128xbf16, #tpu.memory_space<hbm>>)
      tpu.yield
    }) : () -> ()
    %add3A_31 = arith.constant 128 : i32
    %add3A_32 = arith.addi %mul3A_8, %add3A_31 : i32
    %add3A_33 = arith.constant 128 : i32
    %add3A_34 = arith.addi %mul3A_8, %add3A_33 : i32
    "tpu.region"() ({
      %run_scoped3A = tpu.sem_alloc : memref<!tpu.dma_semaphore, #tpu.memory_space<semaphore_mem>>
      %dma_start3A = arith.constant 0 : i32
      %dma_start3A_47 = arith.constant 0 : i32
      %dma_start3A_48 = tpu.memref_slice %arg5[%arg0, %dma_start3A, %dma_start3A_47] : memref<2x10240x128xbf16, #tpu.memory_space<hbm>> -> memref<1x10240x128xbf16, #tpu.memory_space<hbm>>
      %dma_start3A_49 = tpu.memref_squeeze %dma_start3A_48 : memref<1x10240x128xbf16, #tpu.memory_space<hbm>> -> memref<10240x128xbf16, #tpu.memory_space<hbm>>
      %dma_start3A_50 = arith.constant 0 : i32
      %dma_start3A_51 = tpu.memref_slice %dma_start3A_49[%add3A_34, %dma_start3A_50] : memref<10240x128xbf16, #tpu.memory_space<hbm>> -> memref<128x128xbf16, #tpu.memory_space<hbm>>
      %dma_start3A_52 = arith.constant 0 : i32
      %dma_start3A_53 = tpu.memref_slice %arg9[%add3A_32, %dma_start3A_52] : memref<10240x128xbf16, #tpu.memory_space<vmem_shared>> -> memref<128x128xbf16, #tpu.memory_space<vmem_shared>>
      tpu.enqueue_dma source(%dma_start3A_53 : memref<128x128xbf16, #tpu.memory_space<vmem_shared>>) target(%dma_start3A_51 : memref<128x128xbf16, #tpu.memory_space<hbm>>) target_semaphore(%run_scoped3A : memref<!tpu.dma_semaphore, #tpu.memory_space<semaphore_mem>>)
      %dma_wait3A = arith.constant 0 : i32
      %dma_wait3A_54 = arith.constant 0 : i32
      %dma_wait3A_55 = tpu.memref_slice %arg5[%arg0, %dma_wait3A, %dma_wait3A_54] : memref<2x10240x128xbf16, #tpu.memory_space<hbm>> -> memref<1x10240x128xbf16, #tpu.memory_space<hbm>>
      %dma_wait3A_56 = tpu.memref_squeeze %dma_wait3A_55 : memref<1x10240x128xbf16, #tpu.memory_space<hbm>> -> memref<10240x128xbf16, #tpu.memory_space<hbm>>
      %dma_wait3A_57 = arith.constant 0 : i32
      %dma_wait3A_58 = tpu.memref_slice %dma_wait3A_56[%add3A_34, %dma_wait3A_57] : memref<10240x128xbf16, #tpu.memory_space<hbm>> -> memref<128x128xbf16, #tpu.memory_space<hbm>>
      %dma_wait3A_59 = arith.constant 0 : i32
      %dma_wait3A_60 = tpu.memref_slice %arg9[%add3A_32, %dma_wait3A_59] : memref<10240x128xbf16, #tpu.memory_space<vmem_shared>> -> memref<128x128xbf16, #tpu.memory_space<vmem_shared>>
      tpu.wait_dma2 semaphore(%run_scoped3A : memref<!tpu.dma_semaphore, #tpu.memory_space<semaphore_mem>>) src(%dma_wait3A_60 : memref<128x128xbf16, #tpu.memory_space<vmem_shared>>) dst(%dma_wait3A_58 : memref<128x128xbf16, #tpu.memory_space<hbm>>)
      tpu.yield
    }) : () -> ()
    %add3A_35 = arith.constant 256 : i32
    %add3A_36 = arith.addi %mul3A_8, %add3A_35 : i32
    %add3A_37 = arith.constant 256 : i32
    %add3A_38 = arith.addi %mul3A_8, %add3A_37 : i32
    "tpu.region"() ({
      %run_scoped3A = tpu.sem_alloc : memref<!tpu.dma_semaphore, #tpu.memory_space<semaphore_mem>>
      %dma_start3A = arith.constant 0 : i32
      %dma_start3A_47 = arith.constant 0 : i32
      %dma_start3A_48 = tpu.memref_slice %arg5[%arg0, %dma_start3A, %dma_start3A_47] : memref<2x10240x128xbf16, #tpu.memory_space<hbm>> -> memref<1x10240x128xbf16, #tpu.memory_space<hbm>>
      %dma_start3A_49 = tpu.memref_squeeze %dma_start3A_48 : memref<1x10240x128xbf16, #tpu.memory_space<hbm>> -> memref<10240x128xbf16, #tpu.memory_space<hbm>>
      %dma_start3A_50 = arith.constant 0 : i32
      %dma_start3A_51 = tpu.memref_slice %dma_start3A_49[%add3A_38, %dma_start3A_50] : memref<10240x128xbf16, #tpu.memory_space<hbm>> -> memref<128x128xbf16, #tpu.memory_space<hbm>>
      %dma_start3A_52 = arith.constant 0 : i32
      %dma_start3A_53 = tpu.memref_slice %arg9[%add3A_36, %dma_start3A_52] : memref<10240x128xbf16, #tpu.memory_space<vmem_shared>> -> memref<128x128xbf16, #tpu.memory_space<vmem_shared>>
      tpu.enqueue_dma source(%dma_start3A_53 : memref<128x128xbf16, #tpu.memory_space<vmem_shared>>) target(%dma_start3A_51 : memref<128x128xbf16, #tpu.memory_space<hbm>>) target_semaphore(%run_scoped3A : memref<!tpu.dma_semaphore, #tpu.memory_space<semaphore_mem>>)
      %dma_wait3A = arith.constant 0 : i32
      %dma_wait3A_54 = arith.constant 0 : i32
      %dma_wait3A_55 = tpu.memref_slice %arg5[%arg0, %dma_wait3A, %dma_wait3A_54] : memref<2x10240x128xbf16, #tpu.memory_space<hbm>> -> memref<1x10240x128xbf16, #tpu.memory_space<hbm>>
      %dma_wait3A_56 = tpu.memref_squeeze %dma_wait3A_55 : memref<1x10240x128xbf16, #tpu.memory_space<hbm>> -> memref<10240x128xbf16, #tpu.memory_space<hbm>>
      %dma_wait3A_57 = arith.constant 0 : i32
      %dma_wait3A_58 = tpu.memref_slice %dma_wait3A_56[%add3A_38, %dma_wait3A_57] : memref<10240x128xbf16, #tpu.memory_space<hbm>> -> memref<128x128xbf16, #tpu.memory_space<hbm>>
      %dma_wait3A_59 = arith.constant 0 : i32
      %dma_wait3A_60 = tpu.memref_slice %arg9[%add3A_36, %dma_wait3A_59] : memref<10240x128xbf16, #tpu.memory_space<vmem_shared>> -> memref<128x128xbf16, #tpu.memory_space<vmem_shared>>
      tpu.wait_dma2 semaphore(%run_scoped3A : memref<!tpu.dma_semaphore, #tpu.memory_space<semaphore_mem>>) src(%dma_wait3A_60 : memref<128x128xbf16, #tpu.memory_space<vmem_shared>>) dst(%dma_wait3A_58 : memref<128x128xbf16, #tpu.memory_space<hbm>>)
      tpu.yield
    }) : () -> ()
    %add3A_39 = arith.constant 384 : i32
    %add3A_40 = arith.addi %mul3A_8, %add3A_39 : i32
    %add3A_41 = arith.constant 384 : i32
    %add3A_42 = arith.addi %mul3A_8, %add3A_41 : i32
    "tpu.region"() ({
      %run_scoped3A = tpu.sem_alloc : memref<!tpu.dma_semaphore, #tpu.memory_space<semaphore_mem>>
      %dma_start3A = arith.constant 0 : i32
      %dma_start3A_47 = arith.constant 0 : i32
      %dma_start3A_48 = tpu.memref_slice %arg5[%arg0, %dma_start3A, %dma_start3A_47] : memref<2x10240x128xbf16, #tpu.memory_space<hbm>> -> memref<1x10240x128xbf16, #tpu.memory_space<hbm>>
      %dma_start3A_49 = tpu.memref_squeeze %dma_start3A_48 : memref<1x10240x128xbf16, #tpu.memory_space<hbm>> -> memref<10240x128xbf16, #tpu.memory_space<hbm>>
      %dma_start3A_50 = arith.constant 0 : i32
      %dma_start3A_51 = tpu.memref_slice %dma_start3A_49[%add3A_42, %dma_start3A_50] : memref<10240x128xbf16, #tpu.memory_space<hbm>> -> memref<128x128xbf16, #tpu.memory_space<hbm>>
      %dma_start3A_52 = arith.constant 0 : i32
      %dma_start3A_53 = tpu.memref_slice %arg9[%add3A_40, %dma_start3A_52] : memref<10240x128xbf16, #tpu.memory_space<vmem_shared>> -> memref<128x128xbf16, #tpu.memory_space<vmem_shared>>
      tpu.enqueue_dma source(%dma_start3A_53 : memref<128x128xbf16, #tpu.memory_space<vmem_shared>>) target(%dma_start3A_51 : memref<128x128xbf16, #tpu.memory_space<hbm>>) target_semaphore(%run_scoped3A : memref<!tpu.dma_semaphore, #tpu.memory_space<semaphore_mem>>)
      %dma_wait3A = arith.constant 0 : i32
      %dma_wait3A_54 = arith.constant 0 : i32
      %dma_wait3A_55 = tpu.memref_slice %arg5[%arg0, %dma_wait3A, %dma_wait3A_54] : memref<2x10240x128xbf16, #tpu.memory_space<hbm>> -> memref<1x10240x128xbf16, #tpu.memory_space<hbm>>
      %dma_wait3A_56 = tpu.memref_squeeze %dma_wait3A_55 : memref<1x10240x128xbf16, #tpu.memory_space<hbm>> -> memref<10240x128xbf16, #tpu.memory_space<hbm>>
      %dma_wait3A_57 = arith.constant 0 : i32
      %dma_wait3A_58 = tpu.memref_slice %dma_wait3A_56[%add3A_42, %dma_wait3A_57] : memref<10240x128xbf16, #tpu.memory_space<hbm>> -> memref<128x128xbf16, #tpu.memory_space<hbm>>
      %dma_wait3A_59 = arith.constant 0 : i32
      %dma_wait3A_60 = tpu.memref_slice %arg9[%add3A_40, %dma_wait3A_59] : memref<10240x128xbf16, #tpu.memory_space<vmem_shared>> -> memref<128x128xbf16, #tpu.memory_space<vmem_shared>>
      tpu.wait_dma2 semaphore(%run_scoped3A : memref<!tpu.dma_semaphore, #tpu.memory_space<semaphore_mem>>) src(%dma_wait3A_60 : memref<128x128xbf16, #tpu.memory_space<vmem_shared>>) dst(%dma_wait3A_58 : memref<128x128xbf16, #tpu.memory_space<hbm>>)
      tpu.yield
    }) : () -> ()
    %add3A_43 = arith.constant 512 : i32
    %add3A_44 = arith.addi %mul3A_8, %add3A_43 : i32
    %add3A_45 = arith.constant 512 : i32
    %add3A_46 = arith.addi %mul3A_8, %add3A_45 : i32
    "tpu.region"() ({
      %run_scoped3A = tpu.sem_alloc : memref<!tpu.dma_semaphore, #tpu.memory_space<semaphore_mem>>
      %dma_start3A = arith.constant 0 : i32
      %dma_start3A_47 = arith.constant 0 : i32
      %dma_start3A_48 = tpu.memref_slice %arg5[%arg0, %dma_start3A, %dma_start3A_47] : memref<2x10240x128xbf16, #tpu.memory_space<hbm>> -> memref<1x10240x128xbf16, #tpu.memory_space<hbm>>
      %dma_start3A_49 = tpu.memref_squeeze %dma_start3A_48 : memref<1x10240x128xbf16, #tpu.memory_space<hbm>> -> memref<10240x128xbf16, #tpu.memory_space<hbm>>
      %dma_start3A_50 = arith.constant 0 : i32
      %dma_start3A_51 = tpu.memref_slice %dma_start3A_49[%add3A_46, %dma_start3A_50] : memref<10240x128xbf16, #tpu.memory_space<hbm>> -> memref<128x128xbf16, #tpu.memory_space<hbm>>
      %dma_start3A_52 = arith.constant 0 : i32
      %dma_start3A_53 = tpu.memref_slice %arg9[%add3A_44, %dma_start3A_52] : memref<10240x128xbf16, #tpu.memory_space<vmem_shared>> -> memref<128x128xbf16, #tpu.memory_space<vmem_shared>>
      tpu.enqueue_dma source(%dma_start3A_53 : memref<128x128xbf16, #tpu.memory_space<vmem_shared>>) target(%dma_start3A_51 : memref<128x128xbf16, #tpu.memory_space<hbm>>) target_semaphore(%run_scoped3A : memref<!tpu.dma_semaphore, #tpu.memory_space<semaphore_mem>>)
      %dma_wait3A = arith.constant 0 : i32
      %dma_wait3A_54 = arith.constant 0 : i32
      %dma_wait3A_55 = tpu.memref_slice %arg5[%arg0, %dma_wait3A, %dma_wait3A_54] : memref<2x10240x128xbf16, #tpu.memory_space<hbm>> -> memref<1x10240x128xbf16, #tpu.memory_space<hbm>>
      %dma_wait3A_56 = tpu.memref_squeeze %dma_wait3A_55 : memref<1x10240x128xbf16, #tpu.memory_space<hbm>> -> memref<10240x128xbf16, #tpu.memory_space<hbm>>
      %dma_wait3A_57 = arith.constant 0 : i32
      %dma_wait3A_58 = tpu.memref_slice %dma_wait3A_56[%add3A_46, %dma_wait3A_57] : memref<10240x128xbf16, #tpu.memory_space<hbm>> -> memref<128x128xbf16, #tpu.memory_space<hbm>>
      %dma_wait3A_59 = arith.constant 0 : i32
      %dma_wait3A_60 = tpu.memref_slice %arg9[%add3A_44, %dma_wait3A_59] : memref<10240x128xbf16, #tpu.memory_space<vmem_shared>> -> memref<128x128xbf16, #tpu.memory_space<vmem_shared>>
      tpu.wait_dma2 semaphore(%run_scoped3A : memref<!tpu.dma_semaphore, #tpu.memory_space<semaphore_mem>>) src(%dma_wait3A_60 : memref<128x128xbf16, #tpu.memory_space<vmem_shared>>) dst(%dma_wait3A_58 : memref<128x128xbf16, #tpu.memory_space<hbm>>)
      tpu.yield
    }) : () -> ()
    return
  }
}

module attributes {stable_mosaic.version = 14 : i64} {
  func.func @_dense_body(%arg0: i32, %arg1: memref<1x1024x128xbf16, #tpu.memory_space<vmem>>, %arg2: memref<1x1024x128xbf16, #tpu.memory_space<vmem>>, %arg3: memref<1024x128xf32, #tpu.memory_space<vmem>>, %arg4: memref<1x128xf32, #tpu.memory_space<vmem>>, %arg5: memref<128x128xf32, #tpu.memory_space<vmem>>, %arg6: memref<1x128xf32, #tpu.memory_space<vmem>>, %arg7: memref<128x128xf32, #tpu.memory_space<vmem>>, %arg8: memref<1x128xf32, #tpu.memory_space<vmem>>, %arg9: memref<128x128xf32, #tpu.memory_space<vmem>>, %arg10: memref<1x128xf32, #tpu.memory_space<vmem>>, %arg11: memref<128x128xf32, #tpu.memory_space<vmem>>, %arg12: memref<1x128xf32, #tpu.memory_space<vmem>>, %arg13: memref<1024x128xf32, #tpu.memory_space<vmem>>) attributes {dimension_semantics = [#tpu.dimension_semantics<arbitrary>], iteration_bounds = array<i64: 10>, scalar_prefetch = 0 : i64, scratch_operands = 0 : i64, tpu.core_type = #tpu.core_type<tc>, window_params = [{transform_indices = @transform_0, window_bounds = array<i64: 1, 1024, 128>}, {transform_indices = @transform_1, window_bounds = array<i64: 1, 1024, 128>}, {transform_indices = @transform_2, window_bounds = array<i64: 1024, 128>}, {pipeline_mode = #tpu.pipeline_mode<synchronous>, transform_indices = @transform_3, window_bounds = array<i64: 1, 128>}, {pipeline_mode = #tpu.pipeline_mode<synchronous>, transform_indices = @transform_4, window_bounds = array<i64: 128, 128>}, {pipeline_mode = #tpu.pipeline_mode<synchronous>, transform_indices = @transform_5, window_bounds = array<i64: 1, 128>}, {pipeline_mode = #tpu.pipeline_mode<synchronous>, transform_indices = @transform_6, window_bounds = array<i64: 128, 128>}, {pipeline_mode = #tpu.pipeline_mode<synchronous>, transform_indices = @transform_7, window_bounds = array<i64: 1, 128>}, {pipeline_mode = #tpu.pipeline_mode<synchronous>, transform_indices = @transform_8, window_bounds = array<i64: 128, 128>}, {pipeline_mode = #tpu.pipeline_mode<synchronous>, transform_indices = @transform_9, window_bounds = array<i64: 1, 128>}, {pipeline_mode = #tpu.pipeline_mode<synchronous>, transform_indices = @transform_10, window_bounds = array<i64: 128, 128>}, {pipeline_mode = #tpu.pipeline_mode<synchronous>, transform_indices = @transform_11, window_bounds = array<i64: 1, 128>}, {transform_indices = @transform_12, window_bounds = array<i64: 1024, 128>}]} {
    %get3A = arith.constant 0 : index
    %get3A_0 = arith.constant 0 : index
    %get3A_1 = arith.constant 0 : index
    %get3A_2 = vector.load %arg1[%get3A, %get3A_0, %get3A_1] : memref<1x1024x128xbf16, #tpu.memory_space<vmem>>, vector<1x1024x128xbf16>
    %get3A_3 = vector.shape_cast %get3A_2 : vector<1x1024x128xbf16> to vector<1024x128xbf16>
    %convert_element_type3A = arith.extf %get3A_3 : vector<1024x128xbf16> to vector<1024x128xf32>
    %get3A_4 = arith.constant 0 : index
    %get3A_5 = arith.constant 0 : index
    %get3A_6 = arith.constant 0 : index
    %get3A_7 = vector.load %arg2[%get3A_4, %get3A_5, %get3A_6] : memref<1x1024x128xbf16, #tpu.memory_space<vmem>>, vector<1x1024x128xbf16>
    %get3A_8 = vector.shape_cast %get3A_7 : vector<1x1024x128xbf16> to vector<1024x128xbf16>
    %convert_element_type3A_9 = arith.extf %get3A_8 : vector<1024x128xbf16> to vector<1024x128xf32>
    %add3A = arith.addf %convert_element_type3A, %convert_element_type3A_9 : vector<1024x128xf32>
    %get3A_10 = arith.constant 0 : index
    %get3A_11 = arith.constant 0 : index
    %get3A_12 = vector.load %arg4[%get3A_10, %get3A_11] : memref<1x128xf32, #tpu.memory_space<vmem>>, vector<1x128xf32>
    %add3A_13 = vector.broadcast %get3A_12 : vector<1x128xf32> to vector<1024x128xf32>
    %add3A_14 = arith.addf %add3A, %add3A_13 : vector<1024x128xf32>
    %get3A_15 = arith.constant 0 : index
    %get3A_16 = arith.constant 0 : index
    %get3A_17 = vector.load %arg5[%get3A_15, %get3A_16] : memref<128x128xf32, #tpu.memory_space<vmem>>, vector<128x128xf32>
    %dot_general3A = arith.constant dense<0.000000e+00> : vector<1024x128xf32>
    %dot_general3A_18 = tpu.matmul %add3A_14, %get3A_17, %dot_general3A {dimension_numbers = #tpu.dot_dimension_numbers<[1], [0], [0], [1], [0, 0, 1, 1], [], []>, transpose_lhs_hint = false} : vector<1024x128xf32>, vector<128x128xf32>, vector<1024x128xf32> -> vector<1024x128xf32>
    %add3A_19 = arith.addf %add3A_14, %dot_general3A_18 : vector<1024x128xf32>
    %get3A_20 = arith.constant 0 : index
    %get3A_21 = arith.constant 0 : index
    %get3A_22 = vector.load %arg6[%get3A_20, %get3A_21] : memref<1x128xf32, #tpu.memory_space<vmem>>, vector<1x128xf32>
    %add3A_23 = vector.broadcast %get3A_22 : vector<1x128xf32> to vector<1024x128xf32>
    %add3A_24 = arith.addf %add3A_19, %add3A_23 : vector<1024x128xf32>
    %get3A_25 = arith.constant 0 : index
    %get3A_26 = arith.constant 0 : index
    %get3A_27 = vector.load %arg3[%get3A_25, %get3A_26] : memref<1024x128xf32, #tpu.memory_space<vmem>>, vector<1024x128xf32>
    %get3A_28 = arith.constant 0 : index
    %get3A_29 = arith.constant 0 : index
    %get3A_30 = vector.load %arg7[%get3A_28, %get3A_29] : memref<128x128xf32, #tpu.memory_space<vmem>>, vector<128x128xf32>
    %dot_general3A_31 = arith.constant dense<0.000000e+00> : vector<1024x128xf32>
    %dot_general3A_32 = tpu.matmul %get3A_27, %get3A_30, %dot_general3A_31 {dimension_numbers = #tpu.dot_dimension_numbers<[1], [0], [0], [1], [0, 0, 1, 1], [], []>, transpose_lhs_hint = false} : vector<1024x128xf32>, vector<128x128xf32>, vector<1024x128xf32> -> vector<1024x128xf32>
    %get3A_33 = arith.constant 0 : index
    %get3A_34 = arith.constant 0 : index
    %get3A_35 = vector.load %arg8[%get3A_33, %get3A_34] : memref<1x128xf32, #tpu.memory_space<vmem>>, vector<1x128xf32>
    %add3A_36 = vector.broadcast %get3A_35 : vector<1x128xf32> to vector<1024x128xf32>
    %add3A_37 = arith.addf %dot_general3A_32, %add3A_36 : vector<1024x128xf32>
    %add3A_38 = arith.addf %add3A_24, %add3A_37 : vector<1024x128xf32>
    %get3A_39 = arith.constant 0 : index
    %get3A_40 = arith.constant 0 : index
    %get3A_41 = vector.load %arg9[%get3A_39, %get3A_40] : memref<128x128xf32, #tpu.memory_space<vmem>>, vector<128x128xf32>
    %dot_general3A_42 = arith.constant dense<0.000000e+00> : vector<1024x128xf32>
    %dot_general3A_43 = tpu.matmul %add3A_37, %get3A_41, %dot_general3A_42 {dimension_numbers = #tpu.dot_dimension_numbers<[1], [0], [0], [1], [0, 0, 1, 1], [], []>, transpose_lhs_hint = false} : vector<1024x128xf32>, vector<128x128xf32>, vector<1024x128xf32> -> vector<1024x128xf32>
    %add3A_44 = arith.addf %add3A_38, %dot_general3A_43 : vector<1024x128xf32>
    %get3A_45 = arith.constant 0 : index
    %get3A_46 = arith.constant 0 : index
    %get3A_47 = vector.load %arg10[%get3A_45, %get3A_46] : memref<1x128xf32, #tpu.memory_space<vmem>>, vector<1x128xf32>
    %add3A_48 = vector.broadcast %get3A_47 : vector<1x128xf32> to vector<1024x128xf32>
    %add3A_49 = arith.addf %add3A_44, %add3A_48 : vector<1024x128xf32>
    %max3A = arith.constant 0.000000e+00 : f32
    %max3A_50 = vector.broadcast %max3A : f32 to vector<1024x128xf32>
    %max3A_51 = arith.maximumf %add3A_49, %max3A_50 : vector<1024x128xf32>
    %get3A_52 = arith.constant 0 : index
    %get3A_53 = arith.constant 0 : index
    %get3A_54 = vector.load %arg11[%get3A_52, %get3A_53] : memref<128x128xf32, #tpu.memory_space<vmem>>, vector<128x128xf32>
    %dot_general3A_55 = arith.constant dense<0.000000e+00> : vector<1024x128xf32>
    %dot_general3A_56 = tpu.matmul %max3A_51, %get3A_54, %dot_general3A_55 {dimension_numbers = #tpu.dot_dimension_numbers<[1], [0], [0], [1], [0, 0, 1, 1], [], []>, transpose_lhs_hint = false} : vector<1024x128xf32>, vector<128x128xf32>, vector<1024x128xf32> -> vector<1024x128xf32>
    %get3A_57 = arith.constant 0 : index
    %get3A_58 = arith.constant 0 : index
    %get3A_59 = vector.load %arg12[%get3A_57, %get3A_58] : memref<1x128xf32, #tpu.memory_space<vmem>>, vector<1x128xf32>
    %add3A_60 = vector.broadcast %get3A_59 : vector<1x128xf32> to vector<1024x128xf32>
    %add3A_61 = arith.addf %dot_general3A_56, %add3A_60 : vector<1024x128xf32>
    %swap3A = arith.constant 0 : index
    %swap3A_62 = arith.constant 0 : index
    %swap3A_63 = vector.load %arg13[%swap3A, %swap3A_62] : memref<1024x128xf32, #tpu.memory_space<vmem>>, vector<1024x128xf32>
    tpu.vector_store %arg13[%swap3A, %swap3A_62], %add3A_61 {strides = array<i32>} : memref<1024x128xf32, #tpu.memory_space<vmem>>, vector<1024x128xf32>,
    return
  }
  func.func @transform_0(%arg0: i32) -> (i32, i32, i32) {
    %c0_i32 = arith.constant 0 : i32
    %c0_i32_0 = arith.constant 0 : i32
    %c0_i32_1 = arith.constant 0 : i32
    return %c0_i32, %arg0, %c0_i32_0 : i32, i32, i32
  }
  func.func @transform_1(%arg0: i32) -> (i32, i32, i32) {
    %c1_i32 = arith.constant 1 : i32
    %c0_i32 = arith.constant 0 : i32
    %c0_i32_0 = arith.constant 0 : i32
    return %c1_i32, %arg0, %c0_i32 : i32, i32, i32
  }
  func.func @transform_2(%arg0: i32) -> (i32, i32) {
    %c0_i32 = arith.constant 0 : i32
    %c0_i32_0 = arith.constant 0 : i32
    return %arg0, %c0_i32 : i32, i32
  }
  func.func @transform_3(%arg0: i32) -> (i32, i32) {
    %c0_i32 = arith.constant 0 : i32
    %c0_i32_0 = arith.constant 0 : i32
    %c0_i32_1 = arith.constant 0 : i32
    return %c0_i32, %c0_i32_0 : i32, i32
  }
  func.func @transform_4(%arg0: i32) -> (i32, i32) {
    %c0_i32 = arith.constant 0 : i32
    %c0_i32_0 = arith.constant 0 : i32
    %c0_i32_1 = arith.constant 0 : i32
    return %c0_i32, %c0_i32_0 : i32, i32
  }
  func.func @transform_5(%arg0: i32) -> (i32, i32) {
    %c0_i32 = arith.constant 0 : i32
    %c0_i32_0 = arith.constant 0 : i32
    %c0_i32_1 = arith.constant 0 : i32
    return %c0_i32, %c0_i32_0 : i32, i32
  }
  func.func @transform_6(%arg0: i32) -> (i32, i32) {
    %c0_i32 = arith.constant 0 : i32
    %c0_i32_0 = arith.constant 0 : i32
    %c0_i32_1 = arith.constant 0 : i32
    return %c0_i32, %c0_i32_0 : i32, i32
  }
  func.func @transform_7(%arg0: i32) -> (i32, i32) {
    %c0_i32 = arith.constant 0 : i32
    %c0_i32_0 = arith.constant 0 : i32
    %c0_i32_1 = arith.constant 0 : i32
    return %c0_i32, %c0_i32_0 : i32, i32
  }
  func.func @transform_8(%arg0: i32) -> (i32, i32) {
    %c0_i32 = arith.constant 0 : i32
    %c0_i32_0 = arith.constant 0 : i32
    %c0_i32_1 = arith.constant 0 : i32
    return %c0_i32, %c0_i32_0 : i32, i32
  }
  func.func @transform_9(%arg0: i32) -> (i32, i32) {
    %c0_i32 = arith.constant 0 : i32
    %c0_i32_0 = arith.constant 0 : i32
    %c0_i32_1 = arith.constant 0 : i32
    return %c0_i32, %c0_i32_0 : i32, i32
  }
  func.func @transform_10(%arg0: i32) -> (i32, i32) {
    %c0_i32 = arith.constant 0 : i32
    %c0_i32_0 = arith.constant 0 : i32
    %c0_i32_1 = arith.constant 0 : i32
    return %c0_i32, %c0_i32_0 : i32, i32
  }
  func.func @transform_11(%arg0: i32) -> (i32, i32) {
    %c0_i32 = arith.constant 0 : i32
    %c0_i32_0 = arith.constant 0 : i32
    %c0_i32_1 = arith.constant 0 : i32
    return %c0_i32, %c0_i32_0 : i32, i32
  }
  func.func @transform_12(%arg0: i32) -> (i32, i32) {
    %c0_i32 = arith.constant 0 : i32
    %c0_i32_0 = arith.constant 0 : i32
    return %arg0, %c0_i32 : i32, i32
  }
}

</mosaic_0001>

<sc_bundles>
// kernel: kernel.4.cloned.1.call-start
scs
__scs_entry_jumppad:
0x0: {  	(pc) =	sbr.rel $0x88, $3  }
0x1: {  	(tag) =	ssettag $0x0;
	lr =	simm.s32 $0x1  }
0x2: {  	[smem:$0x3F95] =	sst lr;
	_ =	strace $0xD0000000  }
0x3: {  	_ = 	snop  }
0x4: {  	_ = 	snop  }
0x5: {  	_ = 	snop  }
0x6: {  	_ = 	snop  }
0x7: {  	_ = 	snop  }
__scs_overlays_trampoline_lowered:
0x8: {  	[smem:$0x3FA4] =	sst s0  }
0x9: {  	[smem:$0x3FA5] =	sst s1  }
0xa: {  	[smem:$0x3FA6] =	sst s2  }
0xb: {  	[smem:$0x3FA7] =	sst s3  }
0xc: {  	[smem:$0x3FA8] =	sst s4  }
0xd: {  	[smem:$0x3FA9] =	sst s5  }
0xe: {  	[smem:$0x3FAA] =	sst s6  }
0xf: {  	[smem:$0x3FAB] =	sst s7  }
0x10: {  	[smem:$0x3FAC] =	sst s8  }
0x11: {  	[smem:$0x3FAD] =	sst s9;
	s0 =	simm.s32 @!p0 $0x0  }
0x12: {  	s1 =	sld [smem:$0x3F93];
	s0 =	simm.s32 @p0 $0x1  }
0x13: {  	[smem:$0x3FAE] =	sst s0;
	s0 =	simm.s32 @!p1 $0x0  }
0x14: {  	s2 =	sld [smem:$0x3F92];
	s0 =	simm.s32 @p1 $0x1  }
0x15: {  	[smem:$0x3FAF] =	sst s0;
	s0 =	simm.s32 @!p2 $0x0  }
0x16: {  	s3 =	sld [smem:$0x3FDB];
	s0 =	simm.s32 @p2 $0x1  }
0x17: {  	s4 =	simm.s32 $0x1BF5;
	[smem:$0x3FB1] =	sst s0  }
0x18: {  	s0 =	sld [smem:$0x3F94];
	_ =	swait.ge [sflag:s4], $0x0  }
0x19: {  	s7 =	sld [smem:$0x3F95]  }
0x1a: {  	s8 =	sadd.s32 $0xFFFFE003, lr  }
0x1b: {  	s9 =	sadd.s32 $0xFFFFFEF7, lr;
	s5 =	simm.s32 $0xFFFFFFFF;
	p2 =	slt.u32 s8, $0xFFFFF086  }
0x1c: {  	p1 =	slt.u32 s9, $0xF7A;
	s5 =	simm.s32 @!p2 $0x0  }
0x1d: {  	s5 =	simm.s32 @p1 $0x1;
	p0 =	seq.s32 s7, s2  }
0x1e: {  	s7 =	smul.u32 @!p0 $0xF7A, s2;
	p2 =	seq.s32 @!p0 s5, $0x0  }
0x1f: {  	s9 =	smul.u32 $0xF7A, s1;
	s8 =	simm.s32 @!p0 $0x1BF5;
	p2 =	por !p2, p0  }
0x20: {  	[sflag:s8] =	ssyncset.s32 @!p0 $0xFFFFF086;
	s6 =	sadd.s32 @!p0 s3, s7;
	s7 =	simm.s32 @!p0 $0x108  }
0x21: {  	s3 =	sadd.s32 s3, s9;
	s6 =	sadd.s32 @!p0 $0x88, s6;
	s7 =	simm.s32 @p2 $0x1082  }
0x22: {  	[simem:s7], [sflag:s8] =	dma.local @!p0 [hbm:s6], $0xF7A  }
0x23: {  	s9 =	sor.u32 $0xD0000000, s2;
	s6 =	simm.s32 $0x108;
	_ =	swait.ge @!p0 [sflag:s8], $0x0  }
0x24: {  	s3 =	sadd.s32 $0x88, s3;
	s6 =	simm.s32 @!p1 $0x1082;
	[sflag:s4] =	ssyncset.s32 $0xFFFFF086  }
0x25: {  	[simem:s6], [sflag:s4] =	dma.local [hbm:s3], $0xF7A  }
0x26: {  	[smem:$0x3F95] =	sst s1;
	(tag) =	ssettag s2;
	_ =	strace s9  }
0x27: {  	s1 =	sld [smem:$0x3FA5]  }
0x28: {  	s2 =	sld [smem:$0x3FA6]  }
0x29: {  	s4 =	sld [smem:$0x3FA8]  }
0x2a: {  	p0 =	seq.s32 s5, $0x0;
	s5 =	sld [smem:$0x3FA9]  }
0x2b: {  	s6 =	sld [smem:$0x3FAA]  }
0x2c: {  	s7 =	sld [smem:$0x3FAB]  }
0x2d: {  	s3 =	simm.s32 $0x108;
	s8 =	sld [smem:$0x3FAC]  }
0x2e: {  	s3 =	simm.s32 @!p0 $0x1082;
	s9 =	sld [smem:$0x3FAD]  }
0x2f: {  	lr =	sadd.s32 s0, s3;
	s0 =	sld [smem:$0x3FA4]  }
0x30: {  	s3 =	sld [smem:$0x3FA7]  }
0x31: {  	[smem:$0x3FB0] =	sst s10  }
0x32: {  	s10 =	sld [smem:$0x3FAE];
	_ =	sdelay $0x3  }
0x33: {  	p0 =	seq.s32 s10, $0x1;
	s10 =	sld [smem:$0x3FB0];
	_ =	sdelay $0x3  }
0x34: {  	[smem:$0x3FB0] =	sst s10  }
0x35: {  	s10 =	sld [smem:$0x3FAF];
	_ =	sdelay $0x3  }
0x36: {  	p1 =	seq.s32 s10, $0x1;
	s10 =	sld [smem:$0x3FB0];
	_ =	sdelay $0x3  }
0x37: {  	[smem:$0x3FB0] =	sst s10  }
0x38: {  	s10 =	sld [smem:$0x3FB1]  }
0x39: {  	_ = 	snop;
	(pc) =	sbr.ind lr, $3  }
0x3a: {  	_ = 	snop  }
0x3b: {  	_ = 	snop  }
0x3c: {  	p2 =	seq.s32 s10, $0x1;
	s10 =	sld [smem:$0x3FB0]  }
0x3d: {  	_ =	shalt  }
0x3e: {  	_ =	shalt  }
0x3f: {  	_ =	shalt  }
0x40: {  	_ =	shalt  }
0x41: {  	_ =	shalt  }
0x42: {  	_ =	shalt  }
0x43: {  	_ =	shalt  }
0x44: {  	_ =	shalt  }
0x45: {  	_ =	shalt  }
0x46: {  	_ =	shalt  }
0x47: {  	_ =	shalt  }
0x48: {  	_ =	shalt  }
0x49: {  	_ =	shalt  }
0x4a: {  	_ =	shalt  }
0x4b: {  	_ =	shalt  }
0x4c: {  	_ =	shalt  }
0x4d: {  	_ =	shalt  }
0x4e: {  	_ =	shalt  }
0x4f: {  	_ =	shalt  }
0x50: {  	_ =	shalt  }
0x51: {  	_ =	shalt  }
0x52: {  	_ =	shalt  }
0x53: {  	_ =	shalt  }
0x54: {  	_ =	shalt  }
0x55: {  	_ =	shalt  }
0x56: {  	_ =	shalt  }
0x57: {  	_ =	shalt  }
0x58: {  	_ =	shalt  }
0x59: {  	_ =	shalt  }
0x5a: {  	_ =	shalt  }
0x5b: {  	_ =	shalt  }
0x5c: {  	_ =	shalt  }
0x5d: {  	_ =	shalt  }
0x5e: {  	_ =	shalt  }
0x5f: {  	_ =	shalt  }
0x60: {  	_ =	shalt  }
0x61: {  	_ =	shalt  }
0x62: {  	_ =	shalt  }
0x63: {  	_ =	shalt  }
0x64: {  	_ =	shalt  }
0x65: {  	_ =	shalt  }
0x66: {  	_ =	shalt  }
0x67: {  	_ =	shalt  }
0x68: {  	_ =	shalt  }
0x69: {  	_ =	shalt  }
0x6a: {  	_ =	shalt  }
0x6b: {  	_ =	shalt  }
0x6c: {  	_ =	shalt  }
0x6d: {  	_ =	shalt  }
0x6e: {  	_ =	shalt  }
0x6f: {  	_ =	shalt  }
0x70: {  	_ =	shalt  }
0x71: {  	_ =	shalt  }
0x72: {  	_ =	shalt  }
0x73: {  	_ =	shalt  }
0x74: {  	_ =	shalt  }
0x75: {  	_ =	shalt  }
0x76: {  	_ =	shalt  }
0x77: {  	_ =	shalt  }
0x78: {  	_ =	shalt  }
0x79: {  	_ =	shalt  }
0x7a: {  	_ =	shalt  }
0x7b: {  	_ =	shalt  }
0x7c: {  	_ =	shalt  }
0x7d: {  	_ =	shalt  }
0x7e: {  	_ =	shalt  }
0x7f: {  	_ =	shalt  }
0x80: {  	_ =	shalt  }
0x81: {  	_ =	shalt  }
0x82: {  	_ =	shalt  }
0x83: {  	_ =	shalt  }
0x84: {  	_ =	shalt  }
0x85: {  	_ =	shalt  }
0x86: {  	_ =	shalt  }
0x87: {  	_ =	shalt  }
.Lfunc_end0:
.L_simem_size_0:
called_computation_lowered:
.L_overlay_start_0:
0x88: {  	s2 =	sld [smem:$0x3FD9]  }
0x89: {  	s3 =	sld [smem:$0x3FFE];
	_ =	sdelay $0x1  }
0x8a: {  	s1 =	srdreg.scid  }
0x8b: {  	s0 =	sand.u32 $0x1, s1  }
0x8c: {  	s17 =	sshll.u32 s0, $0xA;
	s2 =	sadd.s32 s3, s2  }
0x8d: {  	s2 =	sadd.s32 s2, s17  }
0x8e: {  	[smem:$0x3FBC] =	sst s2  }
0x8f: {  	_ = 	snop  }
0x90: {  	s2 =	sld [smem:$0x3FD0];
	(tm) =	ssettm $0x1  }
0x91: {  	s18 =	sld [smem:$0x3FFB];
	_ =	sdelay $0x3  }
0x92: {  	_ =	strace s18  }
0x93: {  	s3 =	sld [smem:$0x3FFC];
	_ =	sdelay $0x3  }
0x94: {  	_ =	strace s3  }
0x95: {  	s3 =	sld [smem:$0x3FFD];
	_ =	sdelay $0x3  }
0x96: {  	_ =	strace s3  }
0x97: {  	_ =	strace $0x8FFFFFFF  }
0x98: {  	s19 =	sld [smem:$0x3FDB];
	_ =	sdelay $0x1  }
0x99: {  	s4 =	simm.s32 $_scs_section_size  }
0x9a: {  	s5 =	simm.s32 $_size__tile_overlayer_lowered;
	s6 =	simm.s32 $_tile_overlayer_lowered  }
0x9b: {  	s22 =	simm.s32 $0x1BFF;
	s21 =	sshll.u32 s6, $0x1;
	s3 =	sadd.s32 s4, s19  }
0x9c: {  	s7 =	simm.s32 $0x0;
	s20 =	sshll.u32 s5, $0x1;
	s5 =	sadd.s32 s21, s3  }
0x9d: {  	[timem:s7], [sflag:s22] =	dma.local [hbm:s5], s20  }
0x9e: {  	_ =	swait.ge [sflag:s22], s20  }
0x9f: {  	s4 =	ssub.s32 $0x0, s20;
	[sflag:s22] =	ssyncset.done $0x0  }
0xa0: {  	[sflag:s22] =	ssyncadd.s32 s4;
	_ =	sdelay $0x1  }
0xa1: {  	s23 =	simm.s32 $0x1B8B  }
0xa2: {  	_ =	swait.ge [sflag:s23], $0x1  }
0xa3: {  	[sflag:s23] =	ssyncset.done $0x0  }
0xa4: {  	s25 =	simm.s32 $0x1B8E;
	s24 =	sld [smem:$0x3FFE];
	[sflag:s23] =	ssyncadd.s32 $0xFFFFFFFF  }
0xa5: {  	s26 =	simm.s32 $execute0_lowered;
	[smem:$0x3FD2] =	sst s25  }
0xa6: {  	s5 =	sshll.u32 s26, $0x1;
	_ =	strace $0x80000046;
	[dreg:$0x1] =	wrdreg $0xFFFFFFFF  }
0xa7: {  	s28 =	simm.s32 $_size_execute0_lowered;
	s3 =	sadd.s32 s3, s5;
	[dreg:$0x0] =	wrdreg $0x0  }
0xa8: {  	s5 =	sshll.u32 s28, $0x1;
	[dreg:$0x2] =	wrdreg s3  }
0xa9: {  	[dreg:$0x3] =	wrdreg s5  }
0xaa: {  	[dreg:$0x4] =	wrdreg $0xC0  }
0xab: {  	_ =	task [dreg:s7], $0x5FFFF  }
0xac: {  	[dreg:$0x1] =	wrdreg $0xFFFFFFFF  }
0xad: {  	[dreg:$0x0] =	wrdreg $0x60  }
0xae: {  	[dreg:$0x2] =	wrdreg s24  }
0xaf: {  	[dreg:$0x3] =	wrdreg s2  }
0xb0: {  	[dreg:$0x4] =	wrdreg $0x6F000  }
0xb1: {  	[dreg:$0x5] =	wrdreg $0x9  }
0xb2: {  	_ =	task.clear_ibuf [dreg:s7], $0x6FFFF;
	_ =	strace $0x90000046  }
0xb3: {  	s29 =	simm.s32 $0x9;
	_ =	strace $0x80000048  }
0xb4: {  	_ =	swait.ge [sflag:s29], $0x1  }
0xb5: {  	[sflag:s29] =	ssyncadd.s32 $0xFFFFFFFF  }
0xb6: {  	_ =	strace $0x90000048  }
0xb7: {  	_ =	sfence  }
0xb8: {  	s30 =	sld [smem:$0x0];
	_ =	sdelay $0x2  }
0xb9: {  	s31 =	sshll.u32 s1, $0xD;
	s1 =	sshrl.u32 s1, $0x2  }
0xba: {  	s3 =	sand.u32 $0x4000, s31;
	s1 =	sadd.s32 s1, s30  }
0xbb: {  	s0 =	sor.u32 s3, s0;
	s1 =	sshll.u32 s1, $0x11  }
0xbc: {  	s0 =	sor.u32 s1, s0  }
0xbd: {  	s0 =	sadd.s32 $0x8F2B, s0  }
0xbe: {  	[sflag:s0] =	ssyncadd.remote.s32 $0x1  }
0xbf: {  	_ =	sfence.sel $0xFFFF  }
0xc0: {  	[dreg:$0x0] =	wrdreg $0xFFFFFFFF;
	(pc) =	sbr.abs _section_cstart, $3  }
0xc1: {  	[dreg:$0x1] =	wrdreg $0xFFFFFFFF  }
0xc2: {  	_ =	task.clear_ibuf [dreg:s7], $0x2FFFF;
	_ =	strace $0x9FFFFFFF  }
0xc3: {  	(tm) =	ssettm $0x7FFFFFFF  }
tec
execute0_lowered:
.L_overlay_start_1:
0x0: {  	(tag) =	ssettag $0x1  }
0x1: {  	s6 =	rddreg [dreg:$0x0]  }
0x2: {  	s0 =	srdreg.scid;
	s2 =	rddreg [dreg:$0x1]  }
0x3: {  	s3 =	rddreg [dreg:$0x2];
	s4 =	simm.s32 $0x0;
	s5 =	sand.u32 $0x1, s0  }
0x4: {  	s0 =	stileid.u32;
	s1 =	sshll.u32 s5, $0x4;
	s8 =	smul.u32 $0x14000, s5  }
0x5: {  	s5 =	ssub.s32 $0x2, s5;
	s12 =	smul.u32 $0x14000, s0;
	s1 =	sor.u32 s0, s1  }
0x6: {  	[smem:$0x7FF] =	sst s4;
	s9 =	sshrl.u32 s5, $0x1;
	s7 =	smul.u32 $0x4F0, s1  }
0x7: {  	s1 =	rddreg [dreg:$0x3];
	_ =	strace $0x80000047;
	s13 =	sadd.s32 s8, s6  }
0x8: {  	s14 =	ssub.s32 s5, s9;
	s15 =	sadd.s32 $0x4000, s12;
	s29 =	sshrl.u32 s12, $0x1  }
0x9: {  	s16 =	sadd.s32 $0x8000, s12;
	s17 =	sadd.s32 $0xC000, s12;
	s18 =	sadd.s32 $0x10000, s12  }
0xa: {  	s19 =	sshrl.u32 s12, $0x4;
	s30 =	sshrl.u32 s15, $0x1;
	s31 =	sshrl.u32 s16, $0x1  }
0xb: {  	s10 =	sshrl.u32 s17, $0x1;
	s11 =	sshrl.u32 s18, $0x1;
	s22 =	sadd.s32 $0x15400, s13  }
0xc: {  	s20 =	sshrl.u32 s15, $0x4;
	s21 =	sshrl.u32 s16, $0x4;
	s23 =	sshrl.u32 s17, $0x4  }
0xd: {  	s24 =	sshrl.u32 s18, $0x4;
	s12 =	smax.u32 s14, $0x1;
	s13 =	simm.s32 $0x2  }
0xe: {  	s14 =	simm.s32 $0x2780;
	s15 =	simm.s32 $0x4F00;
	s16 =	simm.s32 $0x80  }
0xf: {  	s17 =	simm.s32 $0x1;
	s7 =	sadd.s32 s7, s6;
	s8 =	sadd.s32 s30, s3  }
0x10: {  	s9 =	sadd.s32 s31, s3;
	s10 =	sadd.s32 s10, s3;
	s11 =	sadd.s32 s11, s3  }
0x11: {  	s18 =	sadd.s32 s19, s22;
	s19 =	sadd.s32 s20, s22;
	s20 =	sadd.s32 s21, s22  }
0x12: {  	s21 =	sadd.s32 s23, s22;
	s22 =	sadd.s32 s24, s22;
	s23 =	simm.s32 $0x0  }
0x13: {  	v0 =	vimm.bf16 $0.0e+00;
	s5 =	sadd.s32 $0xB600, s7;
	s6 =	sadd.s32 $0x1800, s7;
	s7 =	sadd.s32 s29, s3  }
.LBB2_1:
0x14: {  	[tilespmem:s4], [sflag:$0x2] =	stream.linear.gather [hbm4b:s5+s4], $0x2780, $0x38;
	[tilespmem:$0x10F00] =	vst v63  }
0x15: {  	_ =	swait.ge [sflag:s13], $0x2780  }
0x16: {  	[sflag:s13] =	ssyncset.done $0x0  }
0x17: {  	[sflag:s13] =	ssyncadd.s32 $0xFFFFD880  }
0x18: {  	[tilespmem:s14], [sflag:$0x2] =	stream.linear.gather [hbm4b:s6+s4], $0x2780, $0x38;
	[tilespmem:$0x10F00] =	vst v63  }
0x19: {  	_ =	swait.ge [sflag:s13], $0x2780  }
0x1a: {  	[sflag:s13] =	ssyncset.done $0x0  }
0x1b: {  	s25 =	simm.s32 $0x100;
	s24 =	simm.s32 $0x0;
	[sflag:s13] =	ssyncadd.s32 $0xFFFFD880  }
.LBB2_2:
0x1c: {  	p0 =	sne.s32 s25, $0x7F00;
	[tilespmem:s24+$0x4F30] =	vst v0;
	s26 =	smov.u32 s25;
	s25 =	sadd.s32 $0x100, s25  }
.Ltmp0:
0x1d: {  	[tilespmem:s24+$0x4F20] =	vst v0;
	(pc) =	sbr.rel @p0 .LBB2_2-.Ltmp0, $3  }
0x1e: {  	[tilespmem:s24+$0x4F00] =	vst v0  }
0x1f: {  	[tilespmem:s24+$0x4F10] =	vst v0;
	_ =	sdelay $0x1  }
0x20: {  	s24 =	sshra.s32 s26, $0x2  }
0x21: {  	[tilespmem:s24+$0x4F30] =	vst v0  }
0x22: {  	[tilespmem:s24+$0x4F20] =	vst v0  }
0x23: {  	[tilespmem:s24+$0x4F00] =	vst v0  }
0x24: {  	[tilespmem:s24+$0x4F10] =	vst v0  }
0x25: {  	[spmem:s7] =	stream.linear.scatter [tilespmem:s15], [sflag:$0x2], $0x2000, $0x38;
	[tilespmem:$0x10F00] =	vst v63  }
0x26: {  	_ =	swait.ge [sflag:s13], $0x2000  }
0x27: {  	[sflag:s13] =	ssyncset.done $0x0  }
0x28: {  	[sflag:s13] =	ssyncadd.s32 $0xFFFFE000  }
0x29: {  	[spmem:s8] =	stream.linear.scatter [tilespmem:s15], [sflag:$0x2], $0x2000, $0x38;
	[tilespmem:$0x10F00] =	vst v63  }
0x2a: {  	_ =	swait.ge [sflag:s13], $0x2000  }
0x2b: {  	[sflag:s13] =	ssyncset.done $0x0  }
0x2c: {  	[sflag:s13] =	ssyncadd.s32 $0xFFFFE000  }
0x2d: {  	[spmem:s9] =	stream.linear.scatter [tilespmem:s15], [sflag:$0x2], $0x2000, $0x38;
	[tilespmem:$0x10F00] =	vst v63  }
0x2e: {  	_ =	swait.ge [sflag:s13], $0x2000  }
0x2f: {  	[sflag:s13] =	ssyncset.done $0x0  }
0x30: {  	[sflag:s13] =	ssyncadd.s32 $0xFFFFE000  }
0x31: {  	[spmem:s10] =	stream.linear.scatter [tilespmem:s15], [sflag:$0x2], $0x2000, $0x38;
	[tilespmem:$0x10F00] =	vst v63  }
0x32: {  	_ =	swait.ge [sflag:s13], $0x2000  }
0x33: {  	[sflag:s13] =	ssyncset.done $0x0  }
0x34: {  	[sflag:s13] =	ssyncadd.s32 $0xFFFFE000  }
0x35: {  	[spmem:s11] =	stream.linear.scatter [tilespmem:s15], [sflag:$0x2], $0x2000, $0x38;
	[tilespmem:$0x10F00] =	vst v63  }
0x36: {  	_ =	swait.ge [sflag:s13], $0x2000  }
0x37: {  	[sflag:s13] =	ssyncset.done $0x0  }
0x38: {  	[sflag:s13] =	ssyncadd.s32 $0xFFFFE000  }
0x39: {  	s30 =	simm.s32 $0x0;
	[bflag:$0x0] =	sbarrier.arrive $0xFFFF  }
0x3a: {  	[tilespmem:s15], [sflag:$0x1] =	stream.indirect.gather [hbm4b:s2+s16], $0x40, s30, s16, $0xb8;
	[tilespmem:$0x10F00] =	vst v63  }
0x3b: {  	_ =	swait.ge [sflag:s17], $0x2000  }
0x3c: {  	[sflag:s17] =	ssyncset.done $0x0  }
0x3d: {  	s31 =	simm.s32 $0x2780;
	[sflag:s17] =	ssyncadd.s32 $0xFFFFE000  }
0x3e: {  	[spmem:s3] =	stream.indirect.scatter.add.bf16 [tilespmem:s15], [sflag:$0x2], $0x40, s31, s16, $0xb8;
	[tilespmem:$0x10F00] =	vst v63  }
0x3f: {  	_ =	swait.ge [sflag:s13], $0x2000  }
0x40: {  	s24 =	simm.s32 $0x200;
	s25 =	simm.s32 $0x400;
	[sflag:s13] =	ssyncset.done $0x0  }
.LBB2_4:
0x41: {  	s26 =	sshra.s32 s24, $0x2  }
0x42: {  	[sflag:s13] =	ssyncadd.s32 $0xFFFFE000;
	s24 =	smov.u32 s25;
	s28 =	sadd.s32 $0x200, s25  }
0x43: {  	[tilespmem:s15], [sflag:$0x1] =	stream.indirect.gather [hbm4b:s2+s16], $0x40, s26, s16, $0xb8;
	[tilespmem:$0x10F00] =	vst v63  }
0x44: {  	p0 =	sne.s32 s25, $0x9C00;
	_ =	swait.ge [sflag:s17], $0x2000  }
.Ltmp1:
0x45: {  	[sflag:s17] =	ssyncset.done $0x0;
	(pc) =	sbr.rel @p0 .LBB2_4-.Ltmp1, $4  }
0x46: {  	s25 =	sadd.s32 $0x2780, s26;
	[sflag:s17] =	ssyncadd.s32 $0xFFFFE000  }
0x47: {  	[spmem:s3] =	stream.indirect.scatter.add.bf16 [tilespmem:s15], [sflag:$0x2], $0x40, s25, s16, $0xb8;
	[tilespmem:$0x10F00] =	vst v63  }
0x48: {  	_ =	swait.ge [sflag:s13], $0x2000  }
0x49: {  	s25 =	smov.u32 s28;
	[sflag:s13] =	ssyncset.done $0x0  }
0x4a: {  	s24 =	sshra.s32 s24, $0x2;
	[sflag:s13] =	ssyncadd.s32 $0xFFFFE000  }
0x4b: {  	[tilespmem:s15], [sflag:$0x1] =	stream.indirect.gather [hbm4b:s2+s16], $0x40, s24, s16, $0xb8;
	[tilespmem:$0x10F00] =	vst v63  }
0x4c: {  	_ =	swait.ge [sflag:s17], $0x2000  }
0x4d: {  	[sflag:s17] =	ssyncset.done $0x0  }
0x4e: {  	s24 =	sadd.s32 $0x2780, s24;
	[sflag:s17] =	ssyncadd.s32 $0xFFFFE000  }
0x4f: {  	[spmem:s3] =	stream.indirect.scatter.add.bf16 [tilespmem:s15], [sflag:$0x2], $0x40, s24, s16, $0xb8;
	[tilespmem:$0x10F00] =	vst v63  }
0x50: {  	_ =	swait.ge [sflag:s13], $0x2000  }
0x51: {  	[sflag:s13] =	ssyncset.done $0x0  }
0x52: {  	s26 =	sshll.u32 s0, $0x6;
	[sflag:s13] =	ssyncadd.s32 $0xFFFFE000  }
0x53: {  	s25 =	sshrl.u32 s7, $0x3;
	s24 =	sor.u32 $0x1C02, s26;
	[bflag:$0x0] =	sbarrier.arrive $0xFFFF  }
0x54: {  	[hbm:s18], [sflag:s24] =	dma.local [spmem:s25], $0x400  }
0x55: {  	_ =	swait.ge [sflag:s13], $0x400  }
0x56: {  	[sflag:s13] =	ssyncset.done $0x0  }
0x57: {  	s28 =	sshrl.u32 s8, $0x3;
	[sflag:s13] =	ssyncadd.s32 $0xFFFFFC00  }
0x58: {  	[hbm:s19], [sflag:s24] =	dma.local [spmem:s28], $0x400  }
0x59: {  	_ =	swait.ge [sflag:s13], $0x400  }
0x5a: {  	[sflag:s13] =	ssyncset.done $0x0  }
0x5b: {  	s29 =	sshrl.u32 s9, $0x3;
	[sflag:s13] =	ssyncadd.s32 $0xFFFFFC00  }
0x5c: {  	[hbm:s20], [sflag:s24] =	dma.local [spmem:s29], $0x400  }
0x5d: {  	_ =	swait.ge [sflag:s13], $0x400  }
0x5e: {  	[sflag:s13] =	ssyncset.done $0x0  }
0x5f: {  	s30 =	sshrl.u32 s10, $0x3;
	[sflag:s13] =	ssyncadd.s32 $0xFFFFFC00  }
0x60: {  	[hbm:s21], [sflag:s24] =	dma.local [spmem:s30], $0x400  }
0x61: {  	s23 =	sadd.s32 $0x1, s23;
	_ =	swait.ge [sflag:s13], $0x400  }
0x62: {  	p0 =	sne.s32 s23, s12;
	[sflag:s13] =	ssyncset.done $0x0  }
.Ltmp2:
0x63: {  	s31 =	sshrl.u32 s11, $0x3;
	[sflag:s13] =	ssyncadd.s32 $0xFFFFFC00;
	(pc) =	sbr.rel @p0 .LBB2_1-.Ltmp2, $4  }
0x64: {  	[hbm:s22], [sflag:s24] =	dma.local [spmem:s31], $0x400  }
0x65: {  	_ =	swait.ge [sflag:s13], $0x400  }
0x66: {  	[sflag:s13] =	ssyncset.done $0x0  }
0x67: {  	[sflag:s13] =	ssyncadd.s32 $0xFFFFFC00  }
0x68: {  	_ =	sfence.sel $0x180000  }
0x69: {  	[bflag:$0x0] =	sbarrier.arrive $0xFFFF  }
0x6a: {  	p0 =	sne.s32 s0, $0x0;
	_ =	strace $0x90000047  }
0x6b: {  	s0 =	sadd.s32 @!p0 $0x100000, s1;
	[bflag:$0x2] =	sbarrier.arrive $0xFFFF  }
0x6c: {  	[sflag:s0] =	ssyncadd.tile.s32 @!p0 $0x1;
	_ =	shalt  }
.Lfunc_end2:
_tile_overlayer_lowered:
.L_overlay_start_2:
0x6d: {  	(tag) =	ssettag $0x2  }
0x6e: {  	s0 =	rddreg [dreg:$0x0];
	s2 =	stileid.u32  }
0x6f: {  	s1 =	rddreg [dreg:$0x1];
	p0 =	sne.s32 s2, $0x0  }
0x70: {  	s3 =	rddreg [dreg:$0x2];
	[bflag:$0x3] =	sbarrier.arrive $0xFFFF;
	s2 =	simm.s32 @!p0 $0x1C02  }
0x71: {  	[timem:s3], [sflag:s2] =	dma.local @!p0 [hbm:s0], s1  }
0x72: {  	s0 =	simm.s32 @!p0 $0x2  }
0x73: {  	_ =	swait.ge @!p0 [sflag:s0], s1  }
0x74: {  	s1 =	ssub.s32 @!p0 $0x0, s1;
	[sflag:s0] =	ssyncset.done @!p0 $0x0  }
0x75: {  	[sflag:s0] =	ssyncadd.s32 @!p0 s1  }
0x76: {  	[bflag:$0x3] =	sbarrier.arrive $0xFFFF  }
0x77: {  	_ =	shalt  }

</sc_bundles>
